<compile_context>
chip_gen: v7x
topology: tpu7x:2x2x1
jax: 0.10.2.dev20260603
libtpu: 0.0.44.dev20260713+nightly
codegen_flags: <defaults>
</compile_context>

<pallas_src>
import functools

import jax
import jax.numpy as jnp
from jax import lax
from jax.experimental import pallas as pl
from jax.experimental.pallas import tpu as pltpu
from jax.experimental.pallas import tpu_sc as plsc

GRID_H, GRID_W, EMBED_DIM = 32, 32, 768
D = EMBED_DIM // 3
NUM_CORES = 2
NUM_SUBCORES = 16
NW = NUM_CORES * NUM_SUBCORES
ROWS_PER_W = (GRID_H * GRID_W) // NW
N_OUT = GRID_H * GRID_W + 1


def _pos_emb_body(row_hbm, col_hbm, time_hbm, cls_hbm, out_hbm,
                  idx_r, row_v, col_v, time_v, sem_o, sem_g, sem_c, sem_t):
    wid = lax.axis_index("s") * NUM_CORES + lax.axis_index("c")
    base = wid * ROWS_PER_W
    widv = jnp.full((16,), wid, dtype=jnp.int32)
    idx_r[pl.ds(0, 16)] = widv
    idx_r[pl.ds(16, 16)] = widv
    cp_g = pltpu.async_copy(row_hbm.at[idx_r], row_v, sem_g)
    cp_ci = pltpu.async_copy(col_hbm, col_v, sem_c)
    cp_ti = pltpu.async_copy(time_hbm.at[pl.ds(base, ROWS_PER_W)], time_v,
                             sem_t)
    out_rows = out_hbm.at[pl.ds(1 + base, ROWS_PER_W), 0]
    cp_ci.wait()
    cp_c = pltpu.async_copy(col_v, out_rows.at[:, pl.ds(D, D)], sem_o)
    cp_ti.wait()
    cp_t = pltpu.async_copy(time_v, out_rows.at[:, pl.ds(2 * D, D)], sem_o)
    cp_g.wait()
    cp_r = pltpu.async_copy(row_v, out_rows.at[:, pl.ds(0, D)], sem_o)

    @pl.when(wid == 0)
    def _():
        pltpu.sync_copy(cls_hbm, out_hbm.at[pl.ds(0, 1), 0])

    cp_c.wait()
    cp_t.wait()
    cp_r.wait()


_pos_emb = functools.partial(
    pl.kernel,
    mesh=plsc.VectorSubcoreMesh(core_axis_name="c", subcore_axis_name="s"),
    out_type=jax.ShapeDtypeStruct((N_OUT, 1, EMBED_DIM), jnp.float32),
    scratch_types=[
        pltpu.VMEM((ROWS_PER_W,), jnp.int32),
        pltpu.VMEM((ROWS_PER_W, D), jnp.float32),
        pltpu.VMEM((ROWS_PER_W, D), jnp.float32),
        pltpu.VMEM((ROWS_PER_W, D), jnp.float32),
        pltpu.SemaphoreType.DMA,
        pltpu.SemaphoreType.DMA,
        pltpu.SemaphoreType.DMA,
        pltpu.SemaphoreType.DMA,
    ],
)(_pos_emb_body)


def kernel(x, row_embed, col_embed, time_embed, cls_token_pos):
    del x
    out = _pos_emb(row_embed, col_embed, time_embed,
                   cls_token_pos.reshape(1, EMBED_DIM))
    return out.reshape(1, N_OUT, EMBED_DIM)

# --- scband reference (transcript-rebuilt; emitter-appended) ---
"""Pipeline reference for scband-position-embedding2-dv2-32710470926485 (READ-ONLY COPY).

The authoritative reference and input builder live on the scoring server;
editing this copy changes nothing except your own understanding.
"""

import jax, jax.numpy as jnp
import numpy as np

GRID_H, GRID_W, EMBED_DIM = 32, 32, 768
D = EMBED_DIM // 3


def setup_inputs(seed: int = 0) -> dict:
    key = jax.random.key(seed)
    k1, k2, k3, k4, k5 = jax.random.split(key, 5)
    return {
        "x": jax.random.normal(k1, (4, GRID_H * GRID_W + 1, EMBED_DIM), dtype=jnp.float32),
        "row_embed": jax.random.normal(k2, (GRID_H, D), dtype=jnp.float32) * 0.02,
        "col_embed": jax.random.normal(k3, (GRID_W, D), dtype=jnp.float32) * 0.02,
        "time_embed": jax.random.normal(k4, (GRID_H * GRID_W, D), dtype=jnp.float32) * 0.02,
        "cls_token_pos": jax.random.normal(k5, (1, 1, EMBED_DIM), dtype=jnp.float32) * 0.02,
    }


def reference(x, row_embed, col_embed, time_embed, cls_token_pos):
    # _create_grid_embedding: fixed arange index lookups into the three tables
    row_idx = jnp.arange(GRID_H)
    col_idx = jnp.arange(GRID_W)
    time_idx = jnp.arange(GRID_H * GRID_W)
    row_emb = jnp.take(row_embed, row_idx, axis=0)          # (GRID_H, D)
    col_emb = jnp.take(col_embed, col_idx, axis=0)          # (GRID_W, D)
    time_emb = jnp.take(time_embed, time_idx, axis=0)       # (GRID_H*GRID_W, D)
    # expand to (GRID_H, GRID_W, D) grids
    row_grid = jnp.broadcast_to(row_emb[:, None, :], (GRID_H, GRID_W, D))
    col_grid = jnp.broadcast_to(col_emb[None, :, :], (GRID_H, GRID_W, D))
    time_grid = time_emb.reshape(GRID_H, GRID_W, D)
    pos_emb_2d = jnp.concatenate([row_grid, col_grid, time_grid], axis=-1)
    pos_emb_2d = pos_emb_2d.reshape(1, -1, EMBED_DIM)       # (1, 1024, 768)
    # prepend cls token position
    full_pos_emb = jnp.concatenate([cls_token_pos, pos_emb_2d], axis=1)  # (1, 1025, 768)
    return full_pos_emb

if __name__ == "__main__":
    import jax
    _d = setup_inputs()
    print(jax.jit(kernel)(*tuple(_d.values())))

</pallas_src>

<mosaic_0001>
#map = affine_map<(d0, d1) -> (0, 0)>
#map1 = affine_map<(d0, d1) -> (0, 0, 0)>
module attributes {stable_mosaic.version = 14 : i64} {
  func.func @_pos_emb_body(%arg0: i32, %arg1: i32, %arg2: memref<32x256xf32, #tpu.memory_space<hbm>>, %arg3: memref<32x256xf32, #tpu.memory_space<hbm>>, %arg4: memref<1024x256xf32, #tpu.memory_space<hbm>>, %arg5: memref<1x768xf32, #tpu.memory_space<hbm>>, %arg6: memref<1025x1x768xf32, #tpu.memory_space<hbm>>, %arg7: memref<32xi32, #tpu.memory_space<vmem>>, %arg8: memref<32x256xf32, #tpu.memory_space<vmem>>, %arg9: memref<32x256xf32, #tpu.memory_space<vmem>>, %arg10: memref<32x256xf32, #tpu.memory_space<vmem>>, %arg11: memref<!tpu.dma_semaphore, #tpu.memory_space<semaphore_mem>>, %arg12: memref<!tpu.dma_semaphore, #tpu.memory_space<semaphore_mem>>, %arg13: memref<!tpu.dma_semaphore, #tpu.memory_space<semaphore_mem>>, %arg14: memref<!tpu.dma_semaphore, #tpu.memory_space<semaphore_mem>>) attributes {dimension_semantics = [#tpu.dimension_semantics<core_parallel>, #tpu.dimension_semantics<subcore_parallel>], iteration_bounds = array<i64: 2, 16>, scalar_prefetch = 0 : i64, scratch_operands = 8 : i64, tpu.core_type = #tpu.core_type<sc_vector_subcore>, window_params = [{transform_indices = #map}, {transform_indices = #map}, {transform_indices = #map}, {transform_indices = #map}, {transform_indices = #map1}]} {
    %mul3A = arith.constant 2 : i32
    %mul3A_0 = arith.muli %arg1, %mul3A : i32
    %add3A = arith.addi %mul3A_0, %arg0 : i32
    %mul3A_1 = arith.constant 32 : i32
    %mul3A_2 = arith.muli %add3A, %mul3A_1 : i32
    %broadcast_in_dim3A = vector.broadcast %add3A : i32 to vector<16xi32>
    %swap3A = arith.constant 0 : index
    %swap3A_3 = tpu.vector_load %arg7[%swap3A] {strides = array<i32>} : memref<32xi32, #tpu.memory_space<vmem>>, vector<16xi32>,
    %swap3A_4 = vector.shape_cast %swap3A_3 : vector<16xi32> to vector<16xi32>
    %swap3A_5 = vector.shape_cast %broadcast_in_dim3A : vector<16xi32> to vector<16xi32>
    tpu.vector_store %arg7[%swap3A], %swap3A_5 {strides = array<i32>} : memref<32xi32, #tpu.memory_space<vmem>>, vector<16xi32>,
    %swap3A_6 = arith.constant 16 : index
    %swap3A_7 = tpu.vector_load %arg7[%swap3A_6] {strides = array<i32>} : memref<32xi32, #tpu.memory_space<vmem>>, vector<16xi32>,
    %swap3A_8 = vector.shape_cast %swap3A_7 : vector<16xi32> to vector<16xi32>
    %swap3A_9 = vector.shape_cast %broadcast_in_dim3A : vector<16xi32> to vector<16xi32>
    tpu.vector_store %arg7[%swap3A_6], %swap3A_9 {strides = array<i32>} : memref<32xi32, #tpu.memory_space<vmem>>, vector<16xi32>,
    %dma_start3A = arith.constant 0 : i32
    %dma_start3A_10 = arith.constant 0 : i32
    %dma_start3A_11 = tpu.memref_slice %arg2[%dma_start3A, %dma_start3A_10] : memref<32x256xf32, #tpu.memory_space<hbm>> -> memref<32x256xf32, #tpu.memory_space<hbm>>
    tpu.enqueue_indirect_dma source(%dma_start3A_11 : memref<32x256xf32, #tpu.memory_space<hbm>>) target(%arg8 : memref<32x256xf32, #tpu.memory_space<vmem>>) offsets(%arg7 : memref<32xi32, #tpu.memory_space<vmem>>) semaphore(%arg12 : memref<!tpu.dma_semaphore, #tpu.memory_space<semaphore_mem>>)
    tpu.enqueue_dma source(%arg3 : memref<32x256xf32, #tpu.memory_space<hbm>>) target(%arg9 : memref<32x256xf32, #tpu.memory_space<vmem>>) target_semaphore(%arg13 : memref<!tpu.dma_semaphore, #tpu.memory_space<semaphore_mem>>)
    %dma_start3A_12 = arith.constant 0 : i32
    %dma_start3A_13 = tpu.memref_slice %arg4[%mul3A_2, %dma_start3A_12] : memref<1024x256xf32, #tpu.memory_space<hbm>> -> memref<32x256xf32, #tpu.memory_space<hbm>>
    %dma_start3A_14 = arith.constant 0 : i32
    %dma_start3A_15 = tpu.memref_slice %arg4[%mul3A_2, %dma_start3A_14] : memref<1024x256xf32, #tpu.memory_space<hbm>> -> memref<32x256xf32, #tpu.memory_space<hbm>>
    tpu.enqueue_dma source(%dma_start3A_15 : memref<32x256xf32, #tpu.memory_space<hbm>>) target(%arg10 : memref<32x256xf32, #tpu.memory_space<vmem>>) target_semaphore(%arg14 : memref<!tpu.dma_semaphore, #tpu.memory_space<semaphore_mem>>)
    %add3A_16 = arith.constant 1 : i32
    %add3A_17 = arith.addi %add3A_16, %mul3A_2 : i32
    tpu.wait_dma2 semaphore(%arg13 : memref<!tpu.dma_semaphore, #tpu.memory_space<semaphore_mem>>) src(%arg3 : memref<32x256xf32, #tpu.memory_space<hbm>>) dst(%arg9 : memref<32x256xf32, #tpu.memory_space<vmem>>)
    %dma_start3A_18 = arith.constant 0 : i32
    %dma_start3A_19 = arith.constant 0 : i32
    %dma_start3A_20 = tpu.memref_slice %arg6[%add3A_17, %dma_start3A_18, %dma_start3A_19] : memref<1025x1x768xf32, #tpu.memory_space<hbm>> -> memref<32x1x768xf32, #tpu.memory_space<hbm>>
    %dma_start3A_21 = tpu.memref_squeeze %dma_start3A_20 : memref<32x1x768xf32, #tpu.memory_space<hbm>> -> memref<32x768xf32, #tpu.memory_space<hbm>>
    %dma_start3A_22 = arith.constant 0 : i32
    %dma_start3A_23 = arith.constant 256 : i32
    %dma_start3A_24 = tpu.memref_slice %dma_start3A_21[%dma_start3A_22, %dma_start3A_23] : memref<32x768xf32, #tpu.memory_space<hbm>> -> memref<32x256xf32, #tpu.memory_space<hbm>>
    %dma_start3A_25 = arith.constant 0 : i32
    %dma_start3A_26 = tpu.memref_slice %arg6[%add3A_17, %dma_start3A_18, %dma_start3A_25] : memref<1025x1x768xf32, #tpu.memory_space<hbm>> -> memref<32x1x768xf32, #tpu.memory_space<hbm>>
    %dma_start3A_27 = tpu.memref_squeeze %dma_start3A_26 : memref<32x1x768xf32, #tpu.memory_space<hbm>> -> memref<32x768xf32, #tpu.memory_space<hbm>>
    %dma_start3A_28 = arith.constant 0 : i32
    %dma_start3A_29 = arith.constant 256 : i32
    %dma_start3A_30 = tpu.memref_slice %dma_start3A_27[%dma_start3A_28, %dma_start3A_29] : memref<32x768xf32, #tpu.memory_space<hbm>> -> memref<32x256xf32, #tpu.memory_space<hbm>>
    tpu.enqueue_dma source(%arg9 : memref<32x256xf32, #tpu.memory_space<vmem>>) target(%dma_start3A_30 : memref<32x256xf32, #tpu.memory_space<hbm>>) target_semaphore(%arg11 : memref<!tpu.dma_semaphore, #tpu.memory_space<semaphore_mem>>)
    %dma_wait3A = arith.constant 0 : i32
    %dma_wait3A_31 = tpu.memref_slice %arg4[%mul3A_2, %dma_wait3A] : memref<1024x256xf32, #tpu.memory_space<hbm>> -> memref<32x256xf32, #tpu.memory_space<hbm>>
    %dma_wait3A_32 = arith.constant 0 : i32
    %dma_wait3A_33 = tpu.memref_slice %arg4[%mul3A_2, %dma_wait3A_32] : memref<1024x256xf32, #tpu.memory_space<hbm>> -> memref<32x256xf32, #tpu.memory_space<hbm>>
    tpu.wait_dma2 semaphore(%arg14 : memref<!tpu.dma_semaphore, #tpu.memory_space<semaphore_mem>>) src(%dma_wait3A_33 : memref<32x256xf32, #tpu.memory_space<hbm>>) dst(%arg10 : memref<32x256xf32, #tpu.memory_space<vmem>>)
    %dma_start3A_34 = arith.constant 0 : i32
    %dma_start3A_35 = arith.constant 0 : i32
    %dma_start3A_36 = tpu.memref_slice %arg6[%add3A_17, %dma_start3A_34, %dma_start3A_35] : memref<1025x1x768xf32, #tpu.memory_space<hbm>> -> memref<32x1x768xf32, #tpu.memory_space<hbm>>
    %dma_start3A_37 = tpu.memref_squeeze %dma_start3A_36 : memref<32x1x768xf32, #tpu.memory_space<hbm>> -> memref<32x768xf32, #tpu.memory_space<hbm>>
    %dma_start3A_38 = arith.constant 0 : i32
    %dma_start3A_39 = arith.constant 512 : i32
    %dma_start3A_40 = tpu.memref_slice %dma_start3A_37[%dma_start3A_38, %dma_start3A_39] : memref<32x768xf32, #tpu.memory_space<hbm>> -> memref<32x256xf32, #tpu.memory_space<hbm>>
    %dma_start3A_41 = arith.constant 0 : i32
    %dma_start3A_42 = tpu.memref_slice %arg6[%add3A_17, %dma_start3A_34, %dma_start3A_41] : memref<1025x1x768xf32, #tpu.memory_space<hbm>> -> memref<32x1x768xf32, #tpu.memory_space<hbm>>
    %dma_start3A_43 = tpu.memref_squeeze %dma_start3A_42 : memref<32x1x768xf32, #tpu.memory_space<hbm>> -> memref<32x768xf32, #tpu.memory_space<hbm>>
    %dma_start3A_44 = arith.constant 0 : i32
    %dma_start3A_45 = arith.constant 512 : i32
    %dma_start3A_46 = tpu.memref_slice %dma_start3A_43[%dma_start3A_44, %dma_start3A_45] : memref<32x768xf32, #tpu.memory_space<hbm>> -> memref<32x256xf32, #tpu.memory_space<hbm>>
    tpu.enqueue_dma source(%arg10 : memref<32x256xf32, #tpu.memory_space<vmem>>) target(%dma_start3A_46 : memref<32x256xf32, #tpu.memory_space<hbm>>) target_semaphore(%arg11 : memref<!tpu.dma_semaphore, #tpu.memory_space<semaphore_mem>>)
    %dma_wait3A_47 = arith.constant 0 : i32
    %dma_wait3A_48 = arith.constant 0 : i32
    %dma_wait3A_49 = tpu.memref_slice %arg2[%dma_wait3A_47, %dma_wait3A_48] : memref<32x256xf32, #tpu.memory_space<hbm>> -> memref<32x256xf32, #tpu.memory_space<hbm>>
    tpu.wait_indirect_dma semaphore(%arg12 : memref<!tpu.dma_semaphore, #tpu.memory_space<semaphore_mem>>) src(%dma_wait3A_49 : memref<32x256xf32, #tpu.memory_space<hbm>>) dst(%arg8 : memref<32x256xf32, #tpu.memory_space<vmem>>)
    %dma_start3A_50 = arith.constant 0 : i32
    %dma_start3A_51 = arith.constant 0 : i32
    %dma_start3A_52 = tpu.memref_slice %arg6[%add3A_17, %dma_start3A_50, %dma_start3A_51] : memref<1025x1x768xf32, #tpu.memory_space<hbm>> -> memref<32x1x768xf32, #tpu.memory_space<hbm>>
    %dma_start3A_53 = tpu.memref_squeeze %dma_start3A_52 : memref<32x1x768xf32, #tpu.memory_space<hbm>> -> memref<32x768xf32, #tpu.memory_space<hbm>>
    %dma_start3A_54 = arith.constant 0 : i32
    %dma_start3A_55 = arith.constant 0 : i32
    %dma_start3A_56 = tpu.memref_slice %dma_start3A_53[%dma_start3A_54, %dma_start3A_55] : memref<32x768xf32, #tpu.memory_space<hbm>> -> memref<32x256xf32, #tpu.memory_space<hbm>>
    %dma_start3A_57 = arith.constant 0 : i32
    %dma_start3A_58 = tpu.memref_slice %arg6[%add3A_17, %dma_start3A_50, %dma_start3A_57] : memref<1025x1x768xf32, #tpu.memory_space<hbm>> -> memref<32x1x768xf32, #tpu.memory_space<hbm>>
    %dma_start3A_59 = tpu.memref_squeeze %dma_start3A_58 : memref<32x1x768xf32, #tpu.memory_space<hbm>> -> memref<32x768xf32, #tpu.memory_space<hbm>>
    %dma_start3A_60 = arith.constant 0 : i32
    %dma_start3A_61 = arith.constant 0 : i32
    %dma_start3A_62 = tpu.memref_slice %dma_start3A_59[%dma_start3A_60, %dma_start3A_61] : memref<32x768xf32, #tpu.memory_space<hbm>> -> memref<32x256xf32, #tpu.memory_space<hbm>>
    tpu.enqueue_dma source(%arg8 : memref<32x256xf32, #tpu.memory_space<vmem>>) target(%dma_start3A_62 : memref<32x256xf32, #tpu.memory_space<hbm>>) target_semaphore(%arg11 : memref<!tpu.dma_semaphore, #tpu.memory_space<semaphore_mem>>)
    %eq3A = arith.constant 0 : i32
    %eq3A_63 = arith.cmpi eq, %add3A, %eq3A : i32
    %convert_element_type3A = arith.extui %eq3A_63 : i1 to i32
    %cond3A = arith.constant 0 : i32
    %cond3A_64 = arith.cmpi ne, %convert_element_type3A, %cond3A : i32
    scf.if %cond3A_64 {
      %run_scoped3A = arith.constant 0 : i32
      "tpu.region"() ({
        %run_scoped3A_104 = tpu.sem_alloc : memref<!tpu.dma_semaphore, #tpu.memory_space<semaphore_mem>>
        %dma_start3A_105 = arith.constant 0 : i32
        %dma_start3A_106 = arith.constant 0 : i32
        %dma_start3A_107 = tpu.memref_slice %arg6[%dma_start3A_105, %run_scoped3A, %dma_start3A_106] : memref<1025x1x768xf32, #tpu.memory_space<hbm>> -> memref<1x1x768xf32, #tpu.memory_space<hbm>>
        %dma_start3A_108 = tpu.memref_squeeze %dma_start3A_107 : memref<1x1x768xf32, #tpu.memory_space<hbm>> -> memref<1x768xf32, #tpu.memory_space<hbm>>
        tpu.enqueue_dma source(%arg5 : memref<1x768xf32, #tpu.memory_space<hbm>>) target(%dma_start3A_108 : memref<1x768xf32, #tpu.memory_space<hbm>>) target_semaphore(%run_scoped3A_104 : memref<!tpu.dma_semaphore, #tpu.memory_space<semaphore_mem>>)
        %dma_wait3A_109 = arith.constant 0 : i32
        %dma_wait3A_110 = arith.constant 0 : i32
        %dma_wait3A_111 = tpu.memref_slice %arg6[%dma_wait3A_109, %run_scoped3A, %dma_wait3A_110] : memref<1025x1x768xf32, #tpu.memory_space<hbm>> -> memref<1x1x768xf32, #tpu.memory_space<hbm>>
        %dma_wait3A_112 = tpu.memref_squeeze %dma_wait3A_111 : memref<1x1x768xf32, #tpu.memory_space<hbm>> -> memref<1x768xf32, #tpu.memory_space<hbm>>
        tpu.wait_dma2 semaphore(%run_scoped3A_104 : memref<!tpu.dma_semaphore, #tpu.memory_space<semaphore_mem>>) src(%arg5 : memref<1x768xf32, #tpu.memory_space<hbm>>) dst(%dma_wait3A_112 : memref<1x768xf32, #tpu.memory_space<hbm>>)
        tpu.yield
      }) : () -> ()
    } else {
    }
    %dma_wait3A_65 = arith.constant 0 : i32
    %dma_wait3A_66 = arith.constant 0 : i32
    %dma_wait3A_67 = tpu.memref_slice %arg6[%add3A_17, %dma_wait3A_65, %dma_wait3A_66] : memref<1025x1x768xf32, #tpu.memory_space<hbm>> -> memref<32x1x768xf32, #tpu.memory_space<hbm>>
    %dma_wait3A_68 = tpu.memref_squeeze %dma_wait3A_67 : memref<32x1x768xf32, #tpu.memory_space<hbm>> -> memref<32x768xf32, #tpu.memory_space<hbm>>
    %dma_wait3A_69 = arith.constant 0 : i32
    %dma_wait3A_70 = arith.constant 256 : i32
    %dma_wait3A_71 = tpu.memref_slice %dma_wait3A_68[%dma_wait3A_69, %dma_wait3A_70] : memref<32x768xf32, #tpu.memory_space<hbm>> -> memref<32x256xf32, #tpu.memory_space<hbm>>
    %dma_wait3A_72 = arith.constant 0 : i32
    %dma_wait3A_73 = tpu.memref_slice %arg6[%add3A_17, %dma_wait3A_65, %dma_wait3A_72] : memref<1025x1x768xf32, #tpu.memory_space<hbm>> -> memref<32x1x768xf32, #tpu.memory_space<hbm>>
    %dma_wait3A_74 = tpu.memref_squeeze %dma_wait3A_73 : memref<32x1x768xf32, #tpu.memory_space<hbm>> -> memref<32x768xf32, #tpu.memory_space<hbm>>
    %dma_wait3A_75 = arith.constant 0 : i32
    %dma_wait3A_76 = arith.constant 256 : i32
    %dma_wait3A_77 = tpu.memref_slice %dma_wait3A_74[%dma_wait3A_75, %dma_wait3A_76] : memref<32x768xf32, #tpu.memory_space<hbm>> -> memref<32x256xf32, #tpu.memory_space<hbm>>
    tpu.wait_dma2 semaphore(%arg11 : memref<!tpu.dma_semaphore, #tpu.memory_space<semaphore_mem>>) src(%arg9 : memref<32x256xf32, #tpu.memory_space<vmem>>) dst(%dma_wait3A_77 : memref<32x256xf32, #tpu.memory_space<hbm>>)
    %dma_wait3A_78 = arith.constant 0 : i32
    %dma_wait3A_79 = arith.constant 0 : i32
    %dma_wait3A_80 = tpu.memref_slice %arg6[%add3A_17, %dma_wait3A_78, %dma_wait3A_79] : memref<1025x1x768xf32, #tpu.memory_space<hbm>> -> memref<32x1x768xf32, #tpu.memory_space<hbm>>
    %dma_wait3A_81 = tpu.memref_squeeze %dma_wait3A_80 : memref<32x1x768xf32, #tpu.memory_space<hbm>> -> memref<32x768xf32, #tpu.memory_space<hbm>>
    %dma_wait3A_82 = arith.constant 0 : i32
    %dma_wait3A_83 = arith.constant 512 : i32
    %dma_wait3A_84 = tpu.memref_slice %dma_wait3A_81[%dma_wait3A_82, %dma_wait3A_83] : memref<32x768xf32, #tpu.memory_space<hbm>> -> memref<32x256xf32, #tpu.memory_space<hbm>>
    %dma_wait3A_85 = arith.constant 0 : i32
    %dma_wait3A_86 = tpu.memref_slice %arg6[%add3A_17, %dma_wait3A_78, %dma_wait3A_85] : memref<1025x1x768xf32, #tpu.memory_space<hbm>> -> memref<32x1x768xf32, #tpu.memory_space<hbm>>
    %dma_wait3A_87 = tpu.memref_squeeze %dma_wait3A_86 : memref<32x1x768xf32, #tpu.memory_space<hbm>> -> memref<32x768xf32, #tpu.memory_space<hbm>>
    %dma_wait3A_88 = arith.constant 0 : i32
    %dma_wait3A_89 = arith.constant 512 : i32
    %dma_wait3A_90 = tpu.memref_slice %dma_wait3A_87[%dma_wait3A_88, %dma_wait3A_89] : memref<32x768xf32, #tpu.memory_space<hbm>> -> memref<32x256xf32, #tpu.memory_space<hbm>>
    tpu.wait_dma2 semaphore(%arg11 : memref<!tpu.dma_semaphore, #tpu.memory_space<semaphore_mem>>) src(%arg10 : memref<32x256xf32, #tpu.memory_space<vmem>>) dst(%dma_wait3A_90 : memref<32x256xf32, #tpu.memory_space<hbm>>)
    %dma_wait3A_91 = arith.constant 0 : i32
    %dma_wait3A_92 = arith.constant 0 : i32
    %dma_wait3A_93 = tpu.memref_slice %arg6[%add3A_17, %dma_wait3A_91, %dma_wait3A_92] : memref<1025x1x768xf32, #tpu.memory_space<hbm>> -> memref<32x1x768xf32, #tpu.memory_space<hbm>>
    %dma_wait3A_94 = tpu.memref_squeeze %dma_wait3A_93 : memref<32x1x768xf32, #tpu.memory_space<hbm>> -> memref<32x768xf32, #tpu.memory_space<hbm>>
    %dma_wait3A_95 = arith.constant 0 : i32
    %dma_wait3A_96 = arith.constant 0 : i32
    %dma_wait3A_97 = tpu.memref_slice %dma_wait3A_94[%dma_wait3A_95, %dma_wait3A_96] : memref<32x768xf32, #tpu.memory_space<hbm>> -> memref<32x256xf32, #tpu.memory_space<hbm>>
    %dma_wait3A_98 = arith.constant 0 : i32
    %dma_wait3A_99 = tpu.memref_slice %arg6[%add3A_17, %dma_wait3A_91, %dma_wait3A_98] : memref<1025x1x768xf32, #tpu.memory_space<hbm>> -> memref<32x1x768xf32, #tpu.memory_space<hbm>>
    %dma_wait3A_100 = tpu.memref_squeeze %dma_wait3A_99 : memref<32x1x768xf32, #tpu.memory_space<hbm>> -> memref<32x768xf32, #tpu.memory_space<hbm>>
    %dma_wait3A_101 = arith.constant 0 : i32
    %dma_wait3A_102 = arith.constant 0 : i32
    %dma_wait3A_103 = tpu.memref_slice %dma_wait3A_100[%dma_wait3A_101, %dma_wait3A_102] : memref<32x768xf32, #tpu.memory_space<hbm>> -> memref<32x256xf32, #tpu.memory_space<hbm>>
    tpu.wait_dma2 semaphore(%arg11 : memref<!tpu.dma_semaphore, #tpu.memory_space<semaphore_mem>>) src(%arg8 : memref<32x256xf32, #tpu.memory_space<vmem>>) dst(%dma_wait3A_103 : memref<32x256xf32, #tpu.memory_space<hbm>>)
    return
  }
}

</mosaic_0001>

<sc_bundles>
// kernel: kernel.3.cloned.1.call-start
scs
__scs_entry_jumppad:
0x0: {  	(pc) =	sbr.rel $0x88, $3  }
0x1: {  	(tag) =	ssettag $0x0;
	lr =	simm.s32 $0x1  }
0x2: {  	[smem:$0x3F9D] =	sst lr;
	_ =	strace $0xD0000000  }
0x3: {  	_ = 	snop  }
0x4: {  	_ = 	snop  }
0x5: {  	_ = 	snop  }
0x6: {  	_ = 	snop  }
0x7: {  	_ = 	snop  }
__scs_overlays_trampoline_lowered:
0x8: {  	[smem:$0x3FAC] =	sst s0  }
0x9: {  	[smem:$0x3FAD] =	sst s1  }
0xa: {  	[smem:$0x3FAE] =	sst s2  }
0xb: {  	[smem:$0x3FAF] =	sst s3  }
0xc: {  	[smem:$0x3FB0] =	sst s4  }
0xd: {  	[smem:$0x3FB1] =	sst s5  }
0xe: {  	[smem:$0x3FB2] =	sst s6  }
0xf: {  	[smem:$0x3FB3] =	sst s7  }
0x10: {  	[smem:$0x3FB4] =	sst s8  }
0x11: {  	[smem:$0x3FB5] =	sst s9;
	s0 =	simm.s32 @!p0 $0x0  }
0x12: {  	s1 =	sld [smem:$0x3F9B];
	s0 =	simm.s32 @p0 $0x1  }
0x13: {  	[smem:$0x3FB6] =	sst s0;
	s0 =	simm.s32 @!p1 $0x0  }
0x14: {  	s2 =	sld [smem:$0x3F9A];
	s0 =	simm.s32 @p1 $0x1  }
0x15: {  	[smem:$0x3FB7] =	sst s0;
	s0 =	simm.s32 @!p2 $0x0  }
0x16: {  	s3 =	sld [smem:$0x3FDB];
	s0 =	simm.s32 @p2 $0x1  }
0x17: {  	s4 =	simm.s32 $0x1BF5;
	[smem:$0x3FB9] =	sst s0  }
0x18: {  	s0 =	sld [smem:$0x3F9C];
	_ =	swait.ge [sflag:s4], $0x0  }
0x19: {  	s7 =	sld [smem:$0x3F9D]  }
0x1a: {  	s8 =	sadd.s32 $0xFFFFE003, lr  }
0x1b: {  	s9 =	sadd.s32 $0xFFFFFEF7, lr;
	s5 =	simm.s32 $0xFFFFFFFF;
	p2 =	slt.u32 s8, $0xFFFFF086  }
0x1c: {  	p1 =	slt.u32 s9, $0xF7A;
	s5 =	simm.s32 @!p2 $0x0  }
0x1d: {  	s5 =	simm.s32 @p1 $0x1;
	p0 =	seq.s32 s7, s2  }
0x1e: {  	s7 =	smul.u32 @!p0 $0xF7A, s2;
	p2 =	seq.s32 @!p0 s5, $0x0  }
0x1f: {  	s9 =	smul.u32 $0xF7A, s1;
	s8 =	simm.s32 @!p0 $0x1BF5;
	p2 =	por !p2, p0  }
0x20: {  	[sflag:s8] =	ssyncset.s32 @!p0 $0xFFFFF086;
	s6 =	sadd.s32 @!p0 s3, s7;
	s7 =	simm.s32 @!p0 $0x108  }
0x21: {  	s3 =	sadd.s32 s3, s9;
	s6 =	sadd.s32 @!p0 $0x88, s6;
	s7 =	simm.s32 @p2 $0x1082  }
0x22: {  	[simem:s7], [sflag:s8] =	dma.local @!p0 [hbm:s6], $0xF7A  }
0x23: {  	s9 =	sor.u32 $0xD0000000, s2;
	s6 =	simm.s32 $0x108;
	_ =	swait.ge @!p0 [sflag:s8], $0x0  }
0x24: {  	s3 =	sadd.s32 $0x88, s3;
	s6 =	simm.s32 @!p1 $0x1082;
	[sflag:s4] =	ssyncset.s32 $0xFFFFF086  }
0x25: {  	[simem:s6], [sflag:s4] =	dma.local [hbm:s3], $0xF7A  }
0x26: {  	[smem:$0x3F9D] =	sst s1;
	(tag) =	ssettag s2;
	_ =	strace s9  }
0x27: {  	s1 =	sld [smem:$0x3FAD]  }
0x28: {  	s2 =	sld [smem:$0x3FAE]  }
0x29: {  	s4 =	sld [smem:$0x3FB0]  }
0x2a: {  	p0 =	seq.s32 s5, $0x0;
	s5 =	sld [smem:$0x3FB1]  }
0x2b: {  	s6 =	sld [smem:$0x3FB2]  }
0x2c: {  	s7 =	sld [smem:$0x3FB3]  }
0x2d: {  	s3 =	simm.s32 $0x108;
	s8 =	sld [smem:$0x3FB4]  }
0x2e: {  	s3 =	simm.s32 @!p0 $0x1082;
	s9 =	sld [smem:$0x3FB5]  }
0x2f: {  	lr =	sadd.s32 s0, s3;
	s0 =	sld [smem:$0x3FAC]  }
0x30: {  	s3 =	sld [smem:$0x3FAF]  }
0x31: {  	[smem:$0x3FB8] =	sst s10  }
0x32: {  	s10 =	sld [smem:$0x3FB6];
	_ =	sdelay $0x3  }
0x33: {  	p0 =	seq.s32 s10, $0x1;
	s10 =	sld [smem:$0x3FB8];
	_ =	sdelay $0x3  }
0x34: {  	[smem:$0x3FB8] =	sst s10  }
0x35: {  	s10 =	sld [smem:$0x3FB7];
	_ =	sdelay $0x3  }
0x36: {  	p1 =	seq.s32 s10, $0x1;
	s10 =	sld [smem:$0x3FB8];
	_ =	sdelay $0x3  }
0x37: {  	[smem:$0x3FB8] =	sst s10  }
0x38: {  	s10 =	sld [smem:$0x3FB9]  }
0x39: {  	_ = 	snop;
	(pc) =	sbr.ind lr, $3  }
0x3a: {  	_ = 	snop  }
0x3b: {  	_ = 	snop  }
0x3c: {  	p2 =	seq.s32 s10, $0x1;
	s10 =	sld [smem:$0x3FB8]  }
0x3d: {  	_ =	shalt  }
0x3e: {  	_ =	shalt  }
0x3f: {  	_ =	shalt  }
0x40: {  	_ =	shalt  }
0x41: {  	_ =	shalt  }
0x42: {  	_ =	shalt  }
0x43: {  	_ =	shalt  }
0x44: {  	_ =	shalt  }
0x45: {  	_ =	shalt  }
0x46: {  	_ =	shalt  }
0x47: {  	_ =	shalt  }
0x48: {  	_ =	shalt  }
0x49: {  	_ =	shalt  }
0x4a: {  	_ =	shalt  }
0x4b: {  	_ =	shalt  }
0x4c: {  	_ =	shalt  }
0x4d: {  	_ =	shalt  }
0x4e: {  	_ =	shalt  }
0x4f: {  	_ =	shalt  }
0x50: {  	_ =	shalt  }
0x51: {  	_ =	shalt  }
0x52: {  	_ =	shalt  }
0x53: {  	_ =	shalt  }
0x54: {  	_ =	shalt  }
0x55: {  	_ =	shalt  }
0x56: {  	_ =	shalt  }
0x57: {  	_ =	shalt  }
0x58: {  	_ =	shalt  }
0x59: {  	_ =	shalt  }
0x5a: {  	_ =	shalt  }
0x5b: {  	_ =	shalt  }
0x5c: {  	_ =	shalt  }
0x5d: {  	_ =	shalt  }
0x5e: {  	_ =	shalt  }
0x5f: {  	_ =	shalt  }
0x60: {  	_ =	shalt  }
0x61: {  	_ =	shalt  }
0x62: {  	_ =	shalt  }
0x63: {  	_ =	shalt  }
0x64: {  	_ =	shalt  }
0x65: {  	_ =	shalt  }
0x66: {  	_ =	shalt  }
0x67: {  	_ =	shalt  }
0x68: {  	_ =	shalt  }
0x69: {  	_ =	shalt  }
0x6a: {  	_ =	shalt  }
0x6b: {  	_ =	shalt  }
0x6c: {  	_ =	shalt  }
0x6d: {  	_ =	shalt  }
0x6e: {  	_ =	shalt  }
0x6f: {  	_ =	shalt  }
0x70: {  	_ =	shalt  }
0x71: {  	_ =	shalt  }
0x72: {  	_ =	shalt  }
0x73: {  	_ =	shalt  }
0x74: {  	_ =	shalt  }
0x75: {  	_ =	shalt  }
0x76: {  	_ =	shalt  }
0x77: {  	_ =	shalt  }
0x78: {  	_ =	shalt  }
0x79: {  	_ =	shalt  }
0x7a: {  	_ =	shalt  }
0x7b: {  	_ =	shalt  }
0x7c: {  	_ =	shalt  }
0x7d: {  	_ =	shalt  }
0x7e: {  	_ =	shalt  }
0x7f: {  	_ =	shalt  }
0x80: {  	_ =	shalt  }
0x81: {  	_ =	shalt  }
0x82: {  	_ =	shalt  }
0x83: {  	_ =	shalt  }
0x84: {  	_ =	shalt  }
0x85: {  	_ =	shalt  }
0x86: {  	_ =	shalt  }
0x87: {  	_ =	shalt  }
.Lfunc_end0:
.L_simem_size_0:
called_computation_lowered:
.L_overlay_start_0:
0x88: {  	s2 =	sld [smem:$0x3FD9]  }
0x89: {  	s3 =	sld [smem:$0x3FFE];
	_ =	sdelay $0x1  }
0x8a: {  	s1 =	srdreg.scid  }
0x8b: {  	s0 =	sand.u32 $0x1, s1  }
0x8c: {  	s18 =	sshll.u32 s0, $0xA;
	s2 =	sadd.s32 s3, s2  }
0x8d: {  	s2 =	sadd.s32 s2, s18  }
0x8e: {  	[smem:$0x3FC4] =	sst s2  }
0x8f: {  	_ = 	snop  }
0x90: {  	s2 =	sld [smem:$0x3FC9]  }
0x91: {  	s19 =	sld [smem:$0x3FC8]  }
0x92: {  	s4 =	sld [smem:$0x3FC7]  }
0x93: {  	s5 =	sld [smem:$0x3FC6]  }
0x94: {  	s6 =	sld [smem:$0x3FD0];
	(tm) =	ssettm $0x1  }
0x95: {  	s7 =	sld [smem:$0x3FFB];
	_ =	sdelay $0x3  }
0x96: {  	_ =	strace s7  }
0x97: {  	s7 =	sld [smem:$0x3FFC];
	_ =	sdelay $0x3  }
0x98: {  	_ =	strace s7  }
0x99: {  	s7 =	sld [smem:$0x3FFD];
	_ =	sdelay $0x3  }
0x9a: {  	_ =	strace s7  }
0x9b: {  	_ =	strace $0x8FFFFFFF  }
0x9c: {  	s20 =	sld [smem:$0x3FDB];
	_ =	sdelay $0x1  }
0x9d: {  	s8 =	simm.s32 $_scs_section_size  }
0x9e: {  	s9 =	simm.s32 $_size__tile_overlayer_lowered;
	s10 =	simm.s32 $_tile_overlayer_lowered  }
0x9f: {  	s23 =	simm.s32 $0x1BFF;
	s22 =	sshll.u32 s10, $0x1;
	s7 =	sadd.s32 s8, s20  }
0xa0: {  	s11 =	simm.s32 $0x0;
	s21 =	sshll.u32 s9, $0x1;
	s9 =	sadd.s32 s22, s7  }
0xa1: {  	[timem:s11], [sflag:s23] =	dma.local [hbm:s9], s21  }
0xa2: {  	_ =	swait.ge [sflag:s23], s21  }
0xa3: {  	s8 =	ssub.s32 $0x0, s21;
	[sflag:s23] =	ssyncset.done $0x0  }
0xa4: {  	[sflag:s23] =	ssyncadd.s32 s8;
	_ =	sdelay $0x1  }
0xa5: {  	s24 =	simm.s32 $0x1B8B  }
0xa6: {  	_ =	swait.ge [sflag:s24], $0x1  }
0xa7: {  	[sflag:s24] =	ssyncset.done $0x0  }
0xa8: {  	s25 =	simm.s32 $0x1B8E;
	[sflag:s24] =	ssyncadd.s32 $0xFFFFFFFF  }
0xa9: {  	s26 =	simm.s32 $execute0_lowered;
	[smem:$0x3FD2] =	sst s25  }
0xaa: {  	s8 =	sshll.u32 s26, $0x1;
	_ =	strace $0x80000046;
	[dreg:$0x1] =	wrdreg $0xFFFFFFFF  }
0xab: {  	s28 =	simm.s32 $_size_execute0_lowered;
	s7 =	sadd.s32 s7, s8;
	[dreg:$0x0] =	wrdreg $0x0  }
0xac: {  	s8 =	sshll.u32 s28, $0x1;
	[dreg:$0x2] =	wrdreg s7  }
0xad: {  	[dreg:$0x3] =	wrdreg s8  }
0xae: {  	[dreg:$0x4] =	wrdreg $0xC0  }
0xaf: {  	_ =	task [dreg:s11], $0x5FFFF  }
0xb0: {  	[dreg:$0x1] =	wrdreg $0xFFFFFFFF  }
0xb1: {  	[dreg:$0x0] =	wrdreg $0x60  }
0xb2: {  	[dreg:$0x2] =	wrdreg s2  }
0xb3: {  	[dreg:$0x3] =	wrdreg s19  }
0xb4: {  	[dreg:$0x4] =	wrdreg s4  }
0xb5: {  	[dreg:$0x5] =	wrdreg s5  }
0xb6: {  	[dreg:$0x6] =	wrdreg s6  }
0xb7: {  	[dreg:$0x7] =	wrdreg $0x9  }
0xb8: {  	_ =	task.clear_ibuf [dreg:s11], $0x8FFFF;
	_ =	strace $0x90000046  }
0xb9: {  	s29 =	simm.s32 $0x9;
	_ =	strace $0x80000048  }
0xba: {  	_ =	swait.ge [sflag:s29], $0x1  }
0xbb: {  	[sflag:s29] =	ssyncadd.s32 $0xFFFFFFFF  }
0xbc: {  	_ =	strace $0x90000048  }
0xbd: {  	_ =	sfence  }
0xbe: {  	s30 =	sld [smem:$0x0];
	_ =	sdelay $0x2  }
0xbf: {  	s31 =	sshll.u32 s1, $0xD;
	s1 =	sshrl.u32 s1, $0x2  }
0xc0: {  	s3 =	sand.u32 $0x4000, s31;
	s1 =	sadd.s32 s1, s30  }
0xc1: {  	s0 =	sor.u32 s3, s0;
	s1 =	sshll.u32 s1, $0x11  }
0xc2: {  	s0 =	sor.u32 s1, s0  }
0xc3: {  	s0 =	sadd.s32 $0x8F2B, s0  }
0xc4: {  	[sflag:s0] =	ssyncadd.remote.s32 $0x1  }
0xc5: {  	_ =	sfence.sel $0xFFFF  }
0xc6: {  	[dreg:$0x0] =	wrdreg $0xFFFFFFFF;
	(pc) =	sbr.abs _section_cstart, $3  }
0xc7: {  	[dreg:$0x1] =	wrdreg $0xFFFFFFFF  }
0xc8: {  	_ =	task.clear_ibuf [dreg:s11], $0x2FFFF;
	_ =	strace $0x9FFFFFFF  }
0xc9: {  	(tm) =	ssettm $0x7FFFFFFF  }
tec
execute0_lowered:
.L_overlay_start_1:
0x0: {  	(tag) =	ssettag $0x1  }
0x1: {  	s6 =	rddreg [dreg:$0x0]  }
0x2: {  	s0 =	rddreg [dreg:$0x1]  }
0x3: {  	s3 =	rddreg [dreg:$0x2]  }
0x4: {  	s1 =	srdreg.scid;
	s2 =	rddreg [dreg:$0x3]  }
0x5: {  	[dreg:$0x6] =	wrdreg s0;
	s0 =	stileid.u32  }
0x6: {  	s9 =	sand.u32 $0x1, s1;
	[dreg:$0x7] =	wrdreg s2;
	s8 =	sshll.u32 s0, $0x1  }
0x7: {  	s2 =	rddreg [dreg:$0x4];
	s8 =	sor.u32 s9, s8  }
0x8: {  	s7 =	simm.s32 $0x0;
	s1 =	rddreg [dreg:$0x5];
	v0 =	vmov s8  }
0x9: {  	s11 =	simm.s32 $0x2480;
	[smem:$0x7FF] =	sst s7;
	v1 =	vshll.u32 v0, $0x1  }
0xa: {  	v3 =	vlaneseq.u32;
	s13 =	simm.s32 $0x2880;
	_ =	strace $0x80000047;
	[dreg:$0xb] =	wrdreg s11;
	v2 =	vand.u32 $0x7, v0;
	v1 =	vand.u32 $0x30, v1  }
0xb: {  	s16 =	simm.s32 $0x3080;
	[dreg:$0xd] =	wrdreg s13;
	v5 =	vor.u32 v2, v1;
	v1 =	vand.u32 $0x7, v3;
	v2 =	vshrl.u32 v3, $0x3  }
0xc: {  	s18 =	simm.s32 $0x3480;
	s19 =	simm.s32 $0x3880;
	[dreg:$0x11] =	wrdreg s16;
	v4 =	vperm.xlane v5, v1;
	v2 =	vmul.u32 $0x8, v2  }
0xd: {  	s20 =	simm.s32 $0x3C80;
	[dreg:$0x13] =	wrdreg s18;
	s4 =	smul.u32 $0xC00, s8;
	v3 =	vor.u32 $0x8, v3  }
0xe: {  	s21 =	simm.s32 $0x4480;
	s22 =	simm.s32 $0x4880;
	[dreg:$0x14] =	wrdreg s19;
	v5 =	vperm.xlane v5, v3;
	v4 =	vadd.s32 v2, v4  }
0xf: {  	[dreg:$0x15] =	wrdreg s20;
	s5 =	sshll.u32 s8, $0xA;
	s4 =	sadd.s32 s4, s2  }
0x10: {  	[dreg:$0x16] =	wrdreg s21;
	s5 =	sadd.s32 s3, s5;
	s3 =	sadd.s32 $0x60, s4;
	v5 =	vadd.s32 v2, v5  }
0x11: {  	[dreg:$0x17] =	wrdreg s22;
	[tilespmem:$0x10] =	vst v0;
	s4 =	sadd.s32 $0x20, s3  }
0x12: {  	vm0 =	vmmov $0xffff;
	[tilespmem:$0x0] =	vst v0;
	[dreg:$0x9] =	wrdreg s4;
	s4 =	simm.s32 $0x80  }
0x13: {  	[tilespmem:s4], [sflag:$0x2] =	stream.indirect_vreg.gather [hbm4b:s6+s7], $0x80, v4, vm0, $0xb8;
	[tilespmem:$0x6080] =	vst v63  }
0x14: {  	s23 =	simm.s32 $0x4C80;
	[dreg:$0x8] =	wrdreg s5;
	s5 =	simm.s32 $0x880  }
0x15: {  	[tilespmem:s5], [sflag:$0x2] =	stream.indirect_vreg.gather [hbm4b:s6+s7], $0x80, v5, vm0, $0xb8;
	[tilespmem:$0x6080] =	vst v63  }
0x16: {  	s24 =	simm.s32 $0x5080;
	[dreg:$0x18] =	wrdreg s23;
	v6 =	vld [tilespmem:$0x10]  }
0x17: {  	s25 =	simm.s32 $0x5480;
	[dreg:$0x19] =	wrdreg s24  }
0x18: {  	s26 =	simm.s32 $0x5880;
	[dreg:$0x1a] =	wrdreg s25  }
0x19: {  	s28 =	simm.s32 $0x5C80;
	[dreg:$0x1b] =	wrdreg s26  }
0x1a: {  	s29 =	simm.s32 $0x480;
	[dreg:$0x1c] =	wrdreg s28  }
0x1b: {  	s30 =	simm.s32 $0xC80;
	[dreg:$0x1d] =	wrdreg s29;
	v7 =	vshll.u32 v6, $0x1  }
0x1c: {  	s31 =	simm.s32 $0x1C80;
	[dreg:$0x1e] =	wrdreg s30;
	v6 =	vand.u32 $0x7, v6;
	v7 =	vand.u32 $0xFFFFFFF0, v7  }
0x1d: {  	s16 =	simm.s32 $0x2080;
	s13 =	simm.s32 $0x1480;
	[smem:$0x7FD] =	sst s31;
	v6 =	vor.u32 v6, v7  }
0x1e: {  	s9 =	ssub.s32 $0x2, s9;
	[dreg:$0x1f] =	wrdreg s13;
	s13 =	simm.s32 $0x2;
	v7 =	vperm.xlane v6, v1  }
0x1f: {  	s11 =	sshrl.u32 s9, $0x1;
	p0 =	sne.s32 s8, $0x0;
	s8 =	simm.s32 $0x1880  }
0x20: {  	s9 =	ssub.s32 s9, s11;
	s19 =	rddreg [dreg:$0x8];
	s10 =	sadd.s32 $0x30, s3;
	v6 =	vperm.xlane v6, v3;
	v7 =	vadd.s32 v2, v7  }
0x21: {  	s11 =	smax.u32 s9, $0x1;
	s12 =	sadd.s32 $0x320, s3;
	[dreg:$0xa] =	wrdreg s10  }
0x22: {  	s9 =	simm.s32 $0x1080;
	s14 =	sadd.s32 $0x330, s3;
	[dreg:$0xc] =	wrdreg s12;
	v6 =	vadd.s32 v2, v6  }
0x23: {  	s18 =	sadd.s32 $0xFFFFFFFF, s11;
	s15 =	sadd.s32 $0x620, s3;
	[dreg:$0xe] =	wrdreg s14  }
0x24: {  	s11 =	simm.s32 $0x1;
	s17 =	sadd.s32 $0x630, s3;
	[dreg:$0x10] =	wrdreg s15  }
0x25: {  	[tilespmem:s9], [sflag:$0x2] =	stream.indirect_vreg.gather [hbm4b:s6+s7], $0x80, v7, vm0, $0xb8;
	[tilespmem:$0x6080] =	vst v63  }
0x26: {  	p1 =	sne.s32 s18, $0x0;
	s10 =	simm.s32 $0x2C80;
	[dreg:$0x12] =	wrdreg s17  }
0x27: {  	[tilespmem:s8], [sflag:$0x2] =	stream.indirect_vreg.gather [hbm4b:s6+s7], $0x80, v6, vm0, $0xb8;
	[tilespmem:$0x6080] =	vst v63  }
.Ltmp0:
0x28: {  	s14 =	simm.s32 $0x4080;
	s12 =	rddreg [dreg:$0x6];
	(pc) =	sbr.rel @!p1 .LBB2_2-.Ltmp0, $4  }
0x29: {  	[tilespmem:s16], [sflag:$0x3] =	stream.linear.gather [hbm4b:s12+s7], $0x2000, $0x38;
	[tilespmem:$0x6080] =	vst v63  }
0x2a: {  	s17 =	simm.s32 $0x3;
	s15 =	simm.s32 $0x4;
	[dreg:$0xf] =	wrdreg s10  }
0x2b: {  	[tilespmem:s14], [sflag:$0x4] =	stream.linear.gather [hbm4b:s19+s7], $0x2000, $0x38;
	[tilespmem:$0x6080] =	vst v63  }
0x2c: {  	s10 =	simm.s32 $0x300;
	s12 =	sshll.u32 @!p0 s0, $0x6;
	_ =	swait.ge [sflag:s17], $0x2000  }
.LBB2_1:
0x2d: {  	s19 =	rddreg [dreg:$0xe]  }
0x2e: {  	s20 =	rddreg [dreg:$0xf]  }
0x2f: {  	s21 =	rddreg [dreg:$0x11]  }
0x30: {  	s22 =	rddreg [dreg:$0xd]  }
0x31: {  	s23 =	rddreg [dreg:$0x9];
	[sflag:s17] =	ssyncset.done $0x0  }
0x32: {  	s24 =	rddreg [dreg:$0xb];
	[sflag:s17] =	ssyncadd.s32 $0xFFFFE000  }
0x33: {  	[hbm4b:s23+s4] =	stream.strided.scatter [tilespmem:s16], [sflag:$0x1], $0x400, s10, s4, $0x38;
	[tilespmem:$0x6080] =	vst v63  }
0x34: {  	s25 =	rddreg [dreg:$0xa]  }
0x35: {  	[hbm4b:s25+s4] =	stream.strided.scatter [tilespmem:s24], [sflag:$0x1], $0x400, s10, s4, $0x38;
	[tilespmem:$0x6080] =	vst v63  }
0x36: {  	s29 =	rddreg [dreg:$0xc]  }
0x37: {  	[hbm4b:s29+s4] =	stream.strided.scatter [tilespmem:s22], [sflag:$0x1], $0x400, s10, s4, $0x38;
	[tilespmem:$0x6080] =	vst v63  }
0x38: {  	s30 =	rddreg [dreg:$0x10]  }
0x39: {  	[hbm4b:s19+s4] =	stream.strided.scatter [tilespmem:s20], [sflag:$0x1], $0x400, s10, s4, $0x38;
	[tilespmem:$0x6080] =	vst v63  }
0x3a: {  	s31 =	rddreg [dreg:$0x12]  }
0x3b: {  	[hbm4b:s30+s4] =	stream.strided.scatter [tilespmem:s21], [sflag:$0x1], $0x400, s10, s4, $0x38;
	[tilespmem:$0x6080] =	vst v63  }
0x3c: {  	s20 =	rddreg [dreg:$0x13]  }
0x3d: {  	[hbm4b:s31+s4] =	stream.strided.scatter [tilespmem:s20], [sflag:$0x1], $0x400, s10, s4, $0x38;
	[tilespmem:$0x6080] =	vst v63  }
0x3e: {  	s23 =	sadd.s32 $0x920, s3;
	s24 =	rddreg [dreg:$0x14]  }
0x3f: {  	[hbm4b:s23+s4] =	stream.strided.scatter [tilespmem:s24], [sflag:$0x1], $0x400, s10, s4, $0x38;
	[tilespmem:$0x6080] =	vst v63  }
0x40: {  	s26 =	rddreg [dreg:$0x15];
	s25 =	sadd.s32 $0x930, s3  }
0x41: {  	[hbm4b:s25+s4] =	stream.strided.scatter [tilespmem:s26], [sflag:$0x1], $0x400, s10, s4, $0x38;
	[tilespmem:$0x6080] =	vst v63  }
0x42: {  	_ =	swait.ge [sflag:s15], $0x2000  }
0x43: {  	[sflag:s15] =	ssyncset.done $0x0  }
0x44: {  	s28 =	sadd.s32 $0x40, s3;
	[sflag:s15] =	ssyncadd.s32 $0xFFFFE000  }
0x45: {  	[hbm4b:s28+s4] =	stream.strided.scatter [tilespmem:s14], [sflag:$0x1], $0x400, s10, s4, $0x38;
	[tilespmem:$0x6080] =	vst v63  }
0x46: {  	s30 =	sadd.s32 $0x50, s3;
	s29 =	rddreg [dreg:$0x16]  }
0x47: {  	[hbm4b:s30+s4] =	stream.strided.scatter [tilespmem:s29], [sflag:$0x1], $0x400, s10, s4, $0x38;
	[tilespmem:$0x6080] =	vst v63  }
0x48: {  	s23 =	sadd.s32 $0x340, s3;
	s31 =	rddreg [dreg:$0x17]  }
0x49: {  	[hbm4b:s23+s4] =	stream.strided.scatter [tilespmem:s31], [sflag:$0x1], $0x400, s10, s4, $0x38;
	[tilespmem:$0x6080] =	vst v63  }
0x4a: {  	s25 =	sadd.s32 $0x350, s3;
	s24 =	rddreg [dreg:$0x18]  }
0x4b: {  	[hbm4b:s25+s4] =	stream.strided.scatter [tilespmem:s24], [sflag:$0x1], $0x400, s10, s4, $0x38;
	[tilespmem:$0x6080] =	vst v63  }
0x4c: {  	s26 =	rddreg [dreg:$0x19];
	s28 =	sadd.s32 $0x640, s3  }
0x4d: {  	[hbm4b:s28+s4] =	stream.strided.scatter [tilespmem:s26], [sflag:$0x1], $0x400, s10, s4, $0x38;
	[tilespmem:$0x6080] =	vst v63  }
0x4e: {  	s29 =	rddreg [dreg:$0x1a];
	s30 =	sadd.s32 $0x650, s3  }
0x4f: {  	[hbm4b:s30+s4] =	stream.strided.scatter [tilespmem:s29], [sflag:$0x1], $0x400, s10, s4, $0x38;
	[tilespmem:$0x6080] =	vst v63  }
0x50: {  	s31 =	rddreg [dreg:$0x1b];
	s24 =	sadd.s32 $0x940, s3  }
0x51: {  	[hbm4b:s24+s4] =	stream.strided.scatter [tilespmem:s31], [sflag:$0x1], $0x400, s10, s4, $0x38;
	[tilespmem:$0x6080] =	vst v63  }
0x52: {  	s25 =	rddreg [dreg:$0x1c];
	s26 =	sadd.s32 $0x950, s3  }
0x53: {  	[hbm4b:s26+s4] =	stream.strided.scatter [tilespmem:s25], [sflag:$0x1], $0x400, s10, s4, $0x38;
	[tilespmem:$0x6080] =	vst v63  }
0x54: {  	_ =	swait.ge [sflag:s13], $0x2000  }
0x55: {  	[sflag:s13] =	ssyncset.done $0x0  }
0x56: {  	[sflag:s13] =	ssyncadd.s32 $0xFFFFE000  }
0x57: {  	[hbm4b:s3+s4] =	stream.strided.scatter [tilespmem:s4], [sflag:$0x1], $0x400, s10, s4, $0x38;
	[tilespmem:$0x6080] =	vst v63  }
0x58: {  	s29 =	sadd.s32 $0x10, s3;
	s28 =	rddreg [dreg:$0x1d]  }
0x59: {  	[hbm4b:s29+s4] =	stream.strided.scatter [tilespmem:s28], [sflag:$0x1], $0x400, s10, s4, $0x38;
	[tilespmem:$0x6080] =	vst v63  }
0x5a: {  	s30 =	sadd.s32 $0x300, s3  }
0x5b: {  	[hbm4b:s30+s4] =	stream.strided.scatter [tilespmem:s5], [sflag:$0x1], $0x400, s10, s4, $0x38;
	[tilespmem:$0x6080] =	vst v63  }
0x5c: {  	s20 =	sadd.s32 $0x310, s3;
	s31 =	rddreg [dreg:$0x1e]  }
0x5d: {  	[hbm4b:s20+s4] =	stream.strided.scatter [tilespmem:s31], [sflag:$0x1], $0x400, s10, s4, $0x38;
	[tilespmem:$0x6080] =	vst v63  }
0x5e: {  	s23 =	sadd.s32 $0x600, s3;
	s24 =	rddreg [dreg:$0x1f]  }
0x5f: {  	[hbm4b:s23+s4] =	stream.strided.scatter [tilespmem:s9], [sflag:$0x1], $0x400, s10, s4, $0x38;
	[tilespmem:$0x6080] =	vst v63  }
0x60: {  	s25 =	sadd.s32 $0x610, s3;
	s21 =	rddreg [dreg:$0x7]  }
0x61: {  	[hbm4b:s25+s4] =	stream.strided.scatter [tilespmem:s24], [sflag:$0x1], $0x400, s10, s4, $0x38;
	[tilespmem:$0x6080] =	vst v63  }
0x62: {  	s26 =	sadd.s32 $0x900, s3;
	s28 =	sld [smem:$0x7FD]  }
0x63: {  	[hbm4b:s26+s4] =	stream.strided.scatter [tilespmem:s8], [sflag:$0x1], $0x400, s10, s4, $0x38;
	[tilespmem:$0x6080] =	vst v63  }
0x64: {  	s29 =	sadd.s32 $0x910, s3;
	s20 =	sor.u32 @!p0 $0x1C05, s12;
	s23 =	simm.s32 @!p0 $0x5  }
0x65: {  	[hbm4b:s29+s4] =	stream.strided.scatter [tilespmem:s28], [sflag:$0x1], $0x400, s10, s4, $0x38;
	[tilespmem:$0x6080] =	vst v63  }
0x66: {  	[hbm:s2], [sflag:s20] =	dma.local @!p0 [hbm:s21], $0x60  }
0x67: {  	_ =	swait.ge @!p0 [sflag:s23], $0x60  }
0x68: {  	[sflag:s23] =	ssyncset.done @!p0 $0x0  }
0x69: {  	[sflag:s23] =	ssyncadd.s32 @!p0 $0xFFFFFFA0  }
0x6a: {  	_ =	swait.ge [sflag:s11], $0x2000  }
0x6b: {  	[sflag:s11] =	ssyncset.done $0x0  }
0x6c: {  	[sflag:s11] =	ssyncadd.s32 $0xFFFFE000  }
0x6d: {  	_ =	swait.ge [sflag:s11], $0x2000  }
0x6e: {  	[sflag:s11] =	ssyncset.done $0x0  }
0x6f: {  	[sflag:s11] =	ssyncadd.s32 $0xFFFFE000  }
0x70: {  	_ =	swait.ge [sflag:s11], $0x2000  }
0x71: {  	[sflag:s11] =	ssyncset.done $0x0  }
0x72: {  	[sflag:s11] =	ssyncadd.s32 $0xFFFFE000  }
0x73: {  	[tilespmem:$0x10] =	vst v0  }
0x74: {  	[tilespmem:$0x0] =	vst v0  }
0x75: {  	[tilespmem:s4], [sflag:$0x2] =	stream.indirect_vreg.gather [hbm4b:s6+s7], $0x80, v4, vm0, $0xb8;
	[tilespmem:$0x6080] =	vst v63  }
0x76: {  	_ = 	snop  }
0x77: {  	[tilespmem:s5], [sflag:$0x2] =	stream.indirect_vreg.gather [hbm4b:s6+s7], $0x80, v5, vm0, $0xb8;
	[tilespmem:$0x6080] =	vst v63  }
0x78: {  	v6 =	vld [tilespmem:$0x10];
	_ =	sdelay $0x4  }
0x79: {  	v7 =	vshll.u32 v6, $0x1  }
0x7a: {  	v6 =	vand.u32 $0x7, v6;
	v7 =	vand.u32 $0xFFFFFFF0, v7  }
0x7b: {  	v6 =	vor.u32 v6, v7  }
0x7c: {  	v7 =	vperm.xlane v6, v1;
	_ =	sdelay $0x1  }
0x7d: {  	v6 =	vperm.xlane v6, v3;
	v7 =	vadd.s32 v2, v7;
	_ =	sdelay $0x1  }
0x7e: {  	v6 =	vadd.s32 v2, v6;
	_ =	sdelay $0x1  }
0x7f: {  	s18 =	sadd.s32 $0xFFFFFFFF, s18  }
0x80: {  	[tilespmem:s9], [sflag:$0x2] =	stream.indirect_vreg.gather [hbm4b:s6+s7], $0x80, v7, vm0, $0xb8;
	[tilespmem:$0x6080] =	vst v63  }
0x81: {  	p1 =	sne.s32 s18, $0x0  }
0x82: {  	[tilespmem:s8], [sflag:$0x2] =	stream.indirect_vreg.gather [hbm4b:s6+s7], $0x80, v6, vm0, $0xb8;
	[tilespmem:$0x6080] =	vst v63  }
.Ltmp1:
0x83: {  	s30 =	rddreg [dreg:$0x6];
	(pc) =	sbr.rel @p1 .LBB2_1-.Ltmp1, $4  }
0x84: {  	[tilespmem:s16], [sflag:$0x3] =	stream.linear.gather [hbm4b:s30+s7], $0x2000, $0x38;
	[tilespmem:$0x6080] =	vst v63  }
0x85: {  	s31 =	rddreg [dreg:$0x8]  }
0x86: {  	[tilespmem:s14], [sflag:$0x4] =	stream.linear.gather [hbm4b:s31+s7], $0x2000, $0x38;
	[tilespmem:$0x6080] =	vst v63  }
0x87: {  	_ =	swait.ge [sflag:s17], $0x2000  }
.LBB2_2:
0x88: {  	s6 =	rddreg [dreg:$0xe]  }
0x89: {  	s7 =	rddreg [dreg:$0xf]  }
0x8a: {  	s18 =	rddreg [dreg:$0x11]  }
0x8b: {  	s19 =	rddreg [dreg:$0xd]  }
0x8c: {  	s20 =	rddreg [dreg:$0x9];
	[sflag:s17] =	ssyncset.done $0x0  }
0x8d: {  	s21 =	rddreg [dreg:$0xb];
	[sflag:s17] =	ssyncadd.s32 $0xFFFFE000  }
0x8e: {  	[hbm4b:s20+s4] =	stream.strided.scatter [tilespmem:s16], [sflag:$0x1], $0x400, s10, s4, $0x38;
	[tilespmem:$0x6080] =	vst v63  }
0x8f: {  	s28 =	rddreg [dreg:$0xa]  }
0x90: {  	[hbm4b:s28+s4] =	stream.strided.scatter [tilespmem:s21], [sflag:$0x1], $0x400, s10, s4, $0x38;
	[tilespmem:$0x6080] =	vst v63  }
0x91: {  	s29 =	rddreg [dreg:$0xc]  }
0x92: {  	[hbm4b:s29+s4] =	stream.strided.scatter [tilespmem:s19], [sflag:$0x1], $0x400, s10, s4, $0x38;
	[tilespmem:$0x6080] =	vst v63  }
0x93: {  	s30 =	rddreg [dreg:$0x10]  }
0x94: {  	[hbm4b:s6+s4] =	stream.strided.scatter [tilespmem:s7], [sflag:$0x1], $0x400, s10, s4, $0x38;
	[tilespmem:$0x6080] =	vst v63  }
0x95: {  	s31 =	rddreg [dreg:$0x12]  }
0x96: {  	[hbm4b:s30+s4] =	stream.strided.scatter [tilespmem:s18], [sflag:$0x1], $0x400, s10, s4, $0x38;
	[tilespmem:$0x6080] =	vst v63  }
0x97: {  	s7 =	rddreg [dreg:$0x13]  }
0x98: {  	[hbm4b:s31+s4] =	stream.strided.scatter [tilespmem:s7], [sflag:$0x1], $0x400, s10, s4, $0x38;
	[tilespmem:$0x6080] =	vst v63  }
0x99: {  	s17 =	rddreg [dreg:$0x14];
	s18 =	sadd.s32 $0x920, s3  }
0x9a: {  	[hbm4b:s18+s4] =	stream.strided.scatter [tilespmem:s17], [sflag:$0x1], $0x400, s10, s4, $0x38;
	[tilespmem:$0x6080] =	vst v63  }
0x9b: {  	s20 =	sadd.s32 $0x930, s3;
	s19 =	rddreg [dreg:$0x15]  }
0x9c: {  	[hbm4b:s20+s4] =	stream.strided.scatter [tilespmem:s19], [sflag:$0x1], $0x400, s10, s4, $0x38;
	[tilespmem:$0x6080] =	vst v63  }
0x9d: {  	_ =	swait.ge [sflag:s15], $0x2000  }
0x9e: {  	[sflag:s15] =	ssyncset.done $0x0  }
0x9f: {  	s21 =	sadd.s32 $0x40, s3;
	[sflag:s15] =	ssyncadd.s32 $0xFFFFE000  }
0xa0: {  	[hbm4b:s21+s4] =	stream.strided.scatter [tilespmem:s14], [sflag:$0x1], $0x400, s10, s4, $0x38;
	[tilespmem:$0x6080] =	vst v63  }
0xa1: {  	s23 =	sadd.s32 $0x50, s3;
	s22 =	rddreg [dreg:$0x16]  }
0xa2: {  	[hbm4b:s23+s4] =	stream.strided.scatter [tilespmem:s22], [sflag:$0x1], $0x400, s10, s4, $0x38;
	[tilespmem:$0x6080] =	vst v63  }
0xa3: {  	s25 =	sadd.s32 $0x340, s3;
	s24 =	rddreg [dreg:$0x17]  }
0xa4: {  	[hbm4b:s25+s4] =	stream.strided.scatter [tilespmem:s24], [sflag:$0x1], $0x400, s10, s4, $0x38;
	[tilespmem:$0x6080] =	vst v63  }
0xa5: {  	s28 =	sadd.s32 $0x350, s3;
	s26 =	rddreg [dreg:$0x18]  }
0xa6: {  	[hbm4b:s28+s4] =	stream.strided.scatter [tilespmem:s26], [sflag:$0x1], $0x400, s10, s4, $0x38;
	[tilespmem:$0x6080] =	vst v63  }
0xa7: {  	s30 =	sadd.s32 $0x640, s3;
	s29 =	rddreg [dreg:$0x19]  }
0xa8: {  	[hbm4b:s30+s4] =	stream.strided.scatter [tilespmem:s29], [sflag:$0x1], $0x400, s10, s4, $0x38;
	[tilespmem:$0x6080] =	vst v63  }
0xa9: {  	s31 =	rddreg [dreg:$0x1a];
	s15 =	sadd.s32 $0x650, s3  }
0xaa: {  	[hbm4b:s15+s4] =	stream.strided.scatter [tilespmem:s31], [sflag:$0x1], $0x400, s10, s4, $0x38;
	[tilespmem:$0x6080] =	vst v63  }
0xab: {  	s17 =	sadd.s32 $0x940, s3;
	s16 =	rddreg [dreg:$0x1b]  }
0xac: {  	[hbm4b:s17+s4] =	stream.strided.scatter [tilespmem:s16], [sflag:$0x1], $0x400, s10, s4, $0x38;
	[tilespmem:$0x6080] =	vst v63  }
0xad: {  	s19 =	sadd.s32 $0x950, s3;
	s18 =	rddreg [dreg:$0x1c]  }
0xae: {  	[hbm4b:s19+s4] =	stream.strided.scatter [tilespmem:s18], [sflag:$0x1], $0x400, s10, s4, $0x38;
	[tilespmem:$0x6080] =	vst v63  }
0xaf: {  	_ =	swait.ge [sflag:s13], $0x2000  }
0xb0: {  	[sflag:s13] =	ssyncset.done $0x0  }
0xb1: {  	[sflag:s13] =	ssyncadd.s32 $0xFFFFE000  }
0xb2: {  	[hbm4b:s3+s4] =	stream.strided.scatter [tilespmem:s4], [sflag:$0x1], $0x400, s10, s4, $0x38;
	[tilespmem:$0x6080] =	vst v63  }
0xb3: {  	s21 =	sadd.s32 $0x10, s3;
	s20 =	rddreg [dreg:$0x1d]  }
0xb4: {  	[hbm4b:s21+s4] =	stream.strided.scatter [tilespmem:s20], [sflag:$0x1], $0x400, s10, s4, $0x38;
	[tilespmem:$0x6080] =	vst v63  }
0xb5: {  	s22 =	sadd.s32 $0x300, s3  }
0xb6: {  	[hbm4b:s22+s4] =	stream.strided.scatter [tilespmem:s5], [sflag:$0x1], $0x400, s10, s4, $0x38;
	[tilespmem:$0x6080] =	vst v63  }
0xb7: {  	s24 =	sadd.s32 $0x310, s3;
	s23 =	rddreg [dreg:$0x1e]  }
0xb8: {  	[hbm4b:s24+s4] =	stream.strided.scatter [tilespmem:s23], [sflag:$0x1], $0x400, s10, s4, $0x38;
	[tilespmem:$0x6080] =	vst v63  }
0xb9: {  	s25 =	sadd.s32 $0x600, s3  }
0xba: {  	[hbm4b:s25+s4] =	stream.strided.scatter [tilespmem:s9], [sflag:$0x1], $0x400, s10, s4, $0x38;
	[tilespmem:$0x6080] =	vst v63  }
0xbb: {  	s28 =	sadd.s32 $0x610, s3;
	s26 =	rddreg [dreg:$0x1f]  }
0xbc: {  	[hbm4b:s28+s4] =	stream.strided.scatter [tilespmem:s26], [sflag:$0x1], $0x400, s10, s4, $0x38;
	[tilespmem:$0x6080] =	vst v63  }
0xbd: {  	s30 =	sadd.s32 $0x900, s3;
	s31 =	sadd.s32 $0x910, s3;
	s29 =	sld [smem:$0x7FD]  }
0xbe: {  	[hbm4b:s30+s4] =	stream.strided.scatter [tilespmem:s8], [sflag:$0x1], $0x400, s10, s4, $0x38;
	[tilespmem:$0x6080] =	vst v63  }
0xbf: {  	s6 =	rddreg [dreg:$0x7];
	s5 =	sor.u32 @!p0 $0x1C05, s12;
	s8 =	simm.s32 @!p0 $0x5  }
0xc0: {  	[hbm4b:s31+s4] =	stream.strided.scatter [tilespmem:s29], [sflag:$0x1], $0x400, s10, s4, $0x38;
	[tilespmem:$0x6080] =	vst v63  }
0xc1: {  	[hbm:s2], [sflag:s5] =	dma.local @!p0 [hbm:s6], $0x60  }
0xc2: {  	_ =	swait.ge @!p0 [sflag:s8], $0x60  }
0xc3: {  	[sflag:s8] =	ssyncset.done @!p0 $0x0  }
0xc4: {  	[sflag:s8] =	ssyncadd.s32 @!p0 $0xFFFFFFA0  }
0xc5: {  	_ =	swait.ge [sflag:s11], $0x2000  }
0xc6: {  	[sflag:s11] =	ssyncset.done $0x0  }
0xc7: {  	[sflag:s11] =	ssyncadd.s32 $0xFFFFE000  }
0xc8: {  	_ =	swait.ge [sflag:s11], $0x2000  }
0xc9: {  	[sflag:s11] =	ssyncset.done $0x0  }
0xca: {  	[sflag:s11] =	ssyncadd.s32 $0xFFFFE000  }
0xcb: {  	_ =	swait.ge [sflag:s11], $0x2000  }
0xcc: {  	[sflag:s11] =	ssyncset.done $0x0  }
0xcd: {  	[sflag:s11] =	ssyncadd.s32 $0xFFFFE000  }
0xce: {  	_ =	sfence.sel $0x180000  }
0xcf: {  	[bflag:$0x0] =	sbarrier.arrive $0xFFFF  }
0xd0: {  	p0 =	sne.s32 s0, $0x0;
	_ =	strace $0x90000047  }
0xd1: {  	s0 =	sadd.s32 @!p0 $0x100000, s1;
	[bflag:$0x2] =	sbarrier.arrive $0xFFFF  }
0xd2: {  	[sflag:s0] =	ssyncadd.tile.s32 @!p0 $0x1;
	_ =	shalt  }
.Lfunc_end2:
_tile_overlayer_lowered:
.L_overlay_start_2:
0xd3: {  	(tag) =	ssettag $0x2  }
0xd4: {  	s0 =	rddreg [dreg:$0x0];
	s2 =	stileid.u32  }
0xd5: {  	s1 =	rddreg [dreg:$0x1];
	p0 =	sne.s32 s2, $0x0  }
0xd6: {  	s3 =	rddreg [dreg:$0x2];
	[bflag:$0x3] =	sbarrier.arrive $0xFFFF;
	s2 =	simm.s32 @!p0 $0x1C05  }
0xd7: {  	[timem:s3], [sflag:s2] =	dma.local @!p0 [hbm:s0], s1  }
0xd8: {  	s0 =	simm.s32 @!p0 $0x5  }
0xd9: {  	_ =	swait.ge @!p0 [sflag:s0], s1  }
0xda: {  	s1 =	ssub.s32 @!p0 $0x0, s1;
	[sflag:s0] =	ssyncset.done @!p0 $0x0  }
0xdb: {  	[sflag:s0] =	ssyncadd.s32 @!p0 s1  }
0xdc: {  	[bflag:$0x3] =	sbarrier.arrive $0xFFFF  }
0xdd: {  	_ =	shalt  }

</sc_bundles>
